<compile_context>
chip_gen: v7x
topology: tpu7x:2x2x1
jax: 0.10.2.dev20260603
libtpu: 0.0.44.dev20260713+nightly
codegen_flags: <defaults>
</compile_context>

<pallas_src>
import functools

import jax
import jax.numpy as jnp
from jax import lax
from jax.experimental import pallas as pl
from jax.experimental.pallas import tpu as pltpu
from jax.experimental.pallas import tpu_sc as plsc

_NC = 2
_NS = 16
_NW = _NC * _NS


def _gather_sc(y, idx_map):
    batch = y.shape[0]
    vocab = idx_map.shape[0]
    bpw = batch // _NW

    mesh = plsc.VectorSubcoreMesh(core_axis_name="c", subcore_axis_name="s")

    nch = 4
    ch = bpw // nch

    @functools.partial(
        pl.kernel,
        out_type=jax.ShapeDtypeStruct((batch,), jnp.int32),
        mesh=mesh,
        scratch_types=[
            pltpu.VMEM((bpw,), jnp.int32),
            pltpu.VMEM((bpw,), jnp.int32),
            pltpu.VMEM_SHARED((vocab,), jnp.int32),
            pltpu.SemaphoreType.DMA,
            pltpu.SemaphoreType.DMA,
            pltpu.SemaphoreType.DMA,
        ]
        + [pltpu.SemaphoreType.DMA] * nch,
    )
    def k(y_hbm, table_hbm, out_hbm, idx_v, vals_v, tab_s,
          sem_i, sem_t, sem_o, *sem_g):
        sid = lax.axis_index("s")
        wid = sid * _NC + lax.axis_index("c")
        base = wid * bpw
        pltpu.async_copy(y_hbm.at[pl.ds(base, bpw)], idx_v, sem_i)

        @pl.when(sid == 0)
        def _():
            pltpu.async_copy(table_hbm, tab_s, sem_t).wait()

        pltpu.make_async_copy(y_hbm.at[pl.ds(base, bpw)], idx_v, sem_i).wait()
        plsc.subcore_barrier()
        for c in range(nch):
            pltpu.async_copy(
                tab_s.at[idx_v.at[pl.ds(c * ch, ch)]],
                vals_v.at[pl.ds(c * ch, ch)],
                sem_g[c],
            )
        for c in range(nch):
            pltpu.make_async_copy(
                tab_s.at[idx_v.at[pl.ds(c * ch, ch)]],
                vals_v.at[pl.ds(c * ch, ch)],
                sem_g[c],
            ).wait()
            pltpu.async_copy(
                vals_v.at[pl.ds(c * ch, ch)],
                out_hbm.at[pl.ds(base + c * ch, ch)],
                sem_o,
            )
        for c in range(nch):
            pltpu.make_async_copy(
                vals_v.at[pl.ds(c * ch, ch)],
                out_hbm.at[pl.ds(base + c * ch, ch)],
                sem_o,
            ).wait()

    return k(y, idx_map)


def kernel(y, idx_map):
    return _gather_sc(y, idx_map)

# --- scband reference (transcript-rebuilt; emitter-appended) ---
"""Pipeline reference for scband-subset-label-transform-78821239816354 (READ-ONLY COPY).

The authoritative reference and input builder live on the scoring server;
editing this copy changes nothing except your own understanding.
"""

import jax, jax.numpy as jnp
import numpy as np

VOCAB = 100000   # size of the original label space (len(idx_map))
N_SUBSET = 1000  # size of the remapped subset label space
BATCH = 16384


def setup_inputs(seed: int = 0) -> dict:
    key = jax.random.key(seed)
    k1, k2 = jax.random.split(key)
    # forward arg: raw labels in the full vocab
    y = jax.random.randint(k1, (BATCH,), 0, VOCAB, dtype=jnp.int32)
    # 'learned'/constructor parameter: the label remapping table (int lookup table)
    idx_map = jax.random.randint(k2, (VOCAB,), 0, N_SUBSET, dtype=jnp.int32)
    return {"y": y, "idx_map": idx_map}


def reference(y, idx_map):
    # Faithful translation of: return self.idx_map[y]
    # A pure 1-D gather (embedding-style lookup with embed_dim == scalar).
    return jnp.take(idx_map, y, axis=0)

if __name__ == "__main__":
    import jax
    _d = setup_inputs()
    print(jax.jit(kernel)(*tuple(_d.values())))

</pallas_src>

<mosaic_0001>
#map = affine_map<(d0, d1) -> (0)>
module attributes {stable_mosaic.version = 14 : i64} {
  func.func @k(%arg0: i32, %arg1: i32, %arg2: memref<16384xi32, #tpu.memory_space<hbm>>, %arg3: memref<100000xi32, #tpu.memory_space<hbm>>, %arg4: memref<16384xi32, #tpu.memory_space<hbm>>, %arg5: memref<512xi32, #tpu.memory_space<vmem>>, %arg6: memref<512xi32, #tpu.memory_space<vmem>>, %arg7: memref<100000xi32, #tpu.memory_space<vmem_shared>>, %arg8: memref<!tpu.dma_semaphore, #tpu.memory_space<semaphore_mem>>, %arg9: memref<!tpu.dma_semaphore, #tpu.memory_space<semaphore_mem>>, %arg10: memref<!tpu.dma_semaphore, #tpu.memory_space<semaphore_mem>>, %arg11: memref<!tpu.dma_semaphore, #tpu.memory_space<semaphore_mem>>, %arg12: memref<!tpu.dma_semaphore, #tpu.memory_space<semaphore_mem>>, %arg13: memref<!tpu.dma_semaphore, #tpu.memory_space<semaphore_mem>>, %arg14: memref<!tpu.dma_semaphore, #tpu.memory_space<semaphore_mem>>) attributes {dimension_semantics = [#tpu.dimension_semantics<core_parallel>, #tpu.dimension_semantics<subcore_parallel>], iteration_bounds = array<i64: 2, 16>, scalar_prefetch = 0 : i64, scratch_operands = 10 : i64, tpu.core_type = #tpu.core_type<sc_vector_subcore>, window_params = [{transform_indices = #map}, {transform_indices = #map}, {transform_indices = #map}]} {
    %mul3A = arith.constant 2 : i32
    %mul3A_0 = arith.muli %arg1, %mul3A : i32
    %add3A = arith.addi %mul3A_0, %arg0 : i32
    %mul3A_1 = arith.constant 512 : i32
    %mul3A_2 = arith.muli %add3A, %mul3A_1 : i32
    %dma_start3A = tpu.memref_slice %arg2[%mul3A_2] : memref<16384xi32, #tpu.memory_space<hbm>> -> memref<512xi32, #tpu.memory_space<hbm>>
    %dma_start3A_3 = tpu.memref_slice %arg2[%mul3A_2] : memref<16384xi32, #tpu.memory_space<hbm>> -> memref<512xi32, #tpu.memory_space<hbm>>
    tpu.enqueue_dma source(%dma_start3A_3 : memref<512xi32, #tpu.memory_space<hbm>>) target(%arg5 : memref<512xi32, #tpu.memory_space<vmem>>) target_semaphore(%arg8 : memref<!tpu.dma_semaphore, #tpu.memory_space<semaphore_mem>>)
    %eq3A = arith.constant 0 : i32
    %eq3A_4 = arith.cmpi eq, %arg1, %eq3A : i32
    %convert_element_type3A = arith.extui %eq3A_4 : i1 to i32
    %cond3A = arith.constant 0 : i32
    %cond3A_5 = arith.cmpi ne, %convert_element_type3A, %cond3A : i32
    scf.if %cond3A_5 {
      tpu.enqueue_dma source(%arg3 : memref<100000xi32, #tpu.memory_space<hbm>>) target(%arg7 : memref<100000xi32, #tpu.memory_space<vmem_shared>>) target_semaphore(%arg9 : memref<!tpu.dma_semaphore, #tpu.memory_space<semaphore_mem>>)
      tpu.wait_dma2 semaphore(%arg9 : memref<!tpu.dma_semaphore, #tpu.memory_space<semaphore_mem>>) src(%arg3 : memref<100000xi32, #tpu.memory_space<hbm>>) dst(%arg7 : memref<100000xi32, #tpu.memory_space<vmem_shared>>)
    } else {
    }
    %dma_wait3A = tpu.memref_slice %arg2[%mul3A_2] : memref<16384xi32, #tpu.memory_space<hbm>> -> memref<512xi32, #tpu.memory_space<hbm>>
    %dma_wait3A_6 = tpu.memref_slice %arg2[%mul3A_2] : memref<16384xi32, #tpu.memory_space<hbm>> -> memref<512xi32, #tpu.memory_space<hbm>>
    tpu.wait_dma2 semaphore(%arg8 : memref<!tpu.dma_semaphore, #tpu.memory_space<semaphore_mem>>) src(%dma_wait3A_6 : memref<512xi32, #tpu.memory_space<hbm>>) dst(%arg5 : memref<512xi32, #tpu.memory_space<vmem>>)
    %barrier3A = arith.constant 0 : index
    tpu.barrier barrier_id(%barrier3A)
    %dma_start3A_7 = arith.constant 0 : i32
    %dma_start3A_8 = tpu.memref_slice %arg6[%dma_start3A_7] : memref<512xi32, #tpu.memory_space<vmem>> -> memref<128xi32, #tpu.memory_space<vmem>>
    %dma_start3A_9 = arith.constant 0 : i32
    %dma_start3A_10 = tpu.memref_slice %arg5[%dma_start3A_9] : memref<512xi32, #tpu.memory_space<vmem>> -> memref<128xi32, #tpu.memory_space<vmem>>
    %dma_start3A_11 = arith.constant 0 : i32
    %dma_start3A_12 = tpu.memref_slice %arg7[%dma_start3A_11] : memref<100000xi32, #tpu.memory_space<vmem_shared>> -> memref<100000xi32, #tpu.memory_space<vmem_shared>>
    tpu.enqueue_indirect_dma source(%dma_start3A_12 : memref<100000xi32, #tpu.memory_space<vmem_shared>>) target(%dma_start3A_8 : memref<128xi32, #tpu.memory_space<vmem>>) offsets(%dma_start3A_10 : memref<128xi32, #tpu.memory_space<vmem>>) semaphore(%arg11 : memref<!tpu.dma_semaphore, #tpu.memory_space<semaphore_mem>>)
    %dma_start3A_13 = arith.constant 128 : i32
    %dma_start3A_14 = tpu.memref_slice %arg6[%dma_start3A_13] : memref<512xi32, #tpu.memory_space<vmem>> -> memref<128xi32, #tpu.memory_space<vmem>>
    %dma_start3A_15 = arith.constant 128 : i32
    %dma_start3A_16 = tpu.memref_slice %arg5[%dma_start3A_15] : memref<512xi32, #tpu.memory_space<vmem>> -> memref<128xi32, #tpu.memory_space<vmem>>
    %dma_start3A_17 = arith.constant 0 : i32
    %dma_start3A_18 = tpu.memref_slice %arg7[%dma_start3A_17] : memref<100000xi32, #tpu.memory_space<vmem_shared>> -> memref<100000xi32, #tpu.memory_space<vmem_shared>>
    tpu.enqueue_indirect_dma source(%dma_start3A_18 : memref<100000xi32, #tpu.memory_space<vmem_shared>>) target(%dma_start3A_14 : memref<128xi32, #tpu.memory_space<vmem>>) offsets(%dma_start3A_16 : memref<128xi32, #tpu.memory_space<vmem>>) semaphore(%arg12 : memref<!tpu.dma_semaphore, #tpu.memory_space<semaphore_mem>>)
    %dma_start3A_19 = arith.constant 256 : i32
    %dma_start3A_20 = tpu.memref_slice %arg6[%dma_start3A_19] : memref<512xi32, #tpu.memory_space<vmem>> -> memref<128xi32, #tpu.memory_space<vmem>>
    %dma_start3A_21 = arith.constant 256 : i32
    %dma_start3A_22 = tpu.memref_slice %arg5[%dma_start3A_21] : memref<512xi32, #tpu.memory_space<vmem>> -> memref<128xi32, #tpu.memory_space<vmem>>
    %dma_start3A_23 = arith.constant 0 : i32
    %dma_start3A_24 = tpu.memref_slice %arg7[%dma_start3A_23] : memref<100000xi32, #tpu.memory_space<vmem_shared>> -> memref<100000xi32, #tpu.memory_space<vmem_shared>>
    tpu.enqueue_indirect_dma source(%dma_start3A_24 : memref<100000xi32, #tpu.memory_space<vmem_shared>>) target(%dma_start3A_20 : memref<128xi32, #tpu.memory_space<vmem>>) offsets(%dma_start3A_22 : memref<128xi32, #tpu.memory_space<vmem>>) semaphore(%arg13 : memref<!tpu.dma_semaphore, #tpu.memory_space<semaphore_mem>>)
    %dma_start3A_25 = arith.constant 384 : i32
    %dma_start3A_26 = tpu.memref_slice %arg6[%dma_start3A_25] : memref<512xi32, #tpu.memory_space<vmem>> -> memref<128xi32, #tpu.memory_space<vmem>>
    %dma_start3A_27 = arith.constant 384 : i32
    %dma_start3A_28 = tpu.memref_slice %arg5[%dma_start3A_27] : memref<512xi32, #tpu.memory_space<vmem>> -> memref<128xi32, #tpu.memory_space<vmem>>
    %dma_start3A_29 = arith.constant 0 : i32
    %dma_start3A_30 = tpu.memref_slice %arg7[%dma_start3A_29] : memref<100000xi32, #tpu.memory_space<vmem_shared>> -> memref<100000xi32, #tpu.memory_space<vmem_shared>>
    tpu.enqueue_indirect_dma source(%dma_start3A_30 : memref<100000xi32, #tpu.memory_space<vmem_shared>>) target(%dma_start3A_26 : memref<128xi32, #tpu.memory_space<vmem>>) offsets(%dma_start3A_28 : memref<128xi32, #tpu.memory_space<vmem>>) semaphore(%arg14 : memref<!tpu.dma_semaphore, #tpu.memory_space<semaphore_mem>>)
    %dma_wait3A_31 = arith.constant 0 : i32
    %dma_wait3A_32 = tpu.memref_slice %arg6[%dma_wait3A_31] : memref<512xi32, #tpu.memory_space<vmem>> -> memref<128xi32, #tpu.memory_space<vmem>>
    %dma_wait3A_33 = arith.constant 0 : i32
    %dma_wait3A_34 = tpu.memref_slice %arg5[%dma_wait3A_33] : memref<512xi32, #tpu.memory_space<vmem>> -> memref<128xi32, #tpu.memory_space<vmem>>
    %dma_wait3A_35 = arith.constant 0 : i32
    %dma_wait3A_36 = tpu.memref_slice %arg7[%dma_wait3A_35] : memref<100000xi32, #tpu.memory_space<vmem_shared>> -> memref<100000xi32, #tpu.memory_space<vmem_shared>>
    tpu.wait_indirect_dma semaphore(%arg11 : memref<!tpu.dma_semaphore, #tpu.memory_space<semaphore_mem>>) src(%dma_wait3A_36 : memref<100000xi32, #tpu.memory_space<vmem_shared>>) dst(%dma_wait3A_32 : memref<128xi32, #tpu.memory_space<vmem>>)
    %add3A_37 = arith.constant 0 : i32
    %add3A_38 = arith.addi %mul3A_2, %add3A_37 : i32
    %dma_start3A_39 = arith.constant 0 : i32
    %dma_start3A_40 = tpu.memref_slice %arg6[%dma_start3A_39] : memref<512xi32, #tpu.memory_space<vmem>> -> memref<128xi32, #tpu.memory_space<vmem>>
    %dma_start3A_41 = tpu.memref_slice %arg4[%add3A_38] : memref<16384xi32, #tpu.memory_space<hbm>> -> memref<128xi32, #tpu.memory_space<hbm>>
    %dma_start3A_42 = tpu.memref_slice %arg4[%add3A_38] : memref<16384xi32, #tpu.memory_space<hbm>> -> memref<128xi32, #tpu.memory_space<hbm>>
    %dma_start3A_43 = arith.constant 0 : i32
    %dma_start3A_44 = tpu.memref_slice %arg6[%dma_start3A_43] : memref<512xi32, #tpu.memory_space<vmem>> -> memref<128xi32, #tpu.memory_space<vmem>>
    tpu.enqueue_dma source(%dma_start3A_44 : memref<128xi32, #tpu.memory_space<vmem>>) target(%dma_start3A_42 : memref<128xi32, #tpu.memory_space<hbm>>) target_semaphore(%arg10 : memref<!tpu.dma_semaphore, #tpu.memory_space<semaphore_mem>>)
    %dma_wait3A_45 = arith.constant 128 : i32
    %dma_wait3A_46 = tpu.memref_slice %arg6[%dma_wait3A_45] : memref<512xi32, #tpu.memory_space<vmem>> -> memref<128xi32, #tpu.memory_space<vmem>>
    %dma_wait3A_47 = arith.constant 128 : i32
    %dma_wait3A_48 = tpu.memref_slice %arg5[%dma_wait3A_47] : memref<512xi32, #tpu.memory_space<vmem>> -> memref<128xi32, #tpu.memory_space<vmem>>
    %dma_wait3A_49 = arith.constant 0 : i32
    %dma_wait3A_50 = tpu.memref_slice %arg7[%dma_wait3A_49] : memref<100000xi32, #tpu.memory_space<vmem_shared>> -> memref<100000xi32, #tpu.memory_space<vmem_shared>>
    tpu.wait_indirect_dma semaphore(%arg12 : memref<!tpu.dma_semaphore, #tpu.memory_space<semaphore_mem>>) src(%dma_wait3A_50 : memref<100000xi32, #tpu.memory_space<vmem_shared>>) dst(%dma_wait3A_46 : memref<128xi32, #tpu.memory_space<vmem>>)
    %add3A_51 = arith.constant 128 : i32
    %add3A_52 = arith.addi %mul3A_2, %add3A_51 : i32
    %dma_start3A_53 = arith.constant 128 : i32
    %dma_start3A_54 = tpu.memref_slice %arg6[%dma_start3A_53] : memref<512xi32, #tpu.memory_space<vmem>> -> memref<128xi32, #tpu.memory_space<vmem>>
    %dma_start3A_55 = tpu.memref_slice %arg4[%add3A_52] : memref<16384xi32, #tpu.memory_space<hbm>> -> memref<128xi32, #tpu.memory_space<hbm>>
    %dma_start3A_56 = tpu.memref_slice %arg4[%add3A_52] : memref<16384xi32, #tpu.memory_space<hbm>> -> memref<128xi32, #tpu.memory_space<hbm>>
    %dma_start3A_57 = arith.constant 128 : i32
    %dma_start3A_58 = tpu.memref_slice %arg6[%dma_start3A_57] : memref<512xi32, #tpu.memory_space<vmem>> -> memref<128xi32, #tpu.memory_space<vmem>>
    tpu.enqueue_dma source(%dma_start3A_58 : memref<128xi32, #tpu.memory_space<vmem>>) target(%dma_start3A_56 : memref<128xi32, #tpu.memory_space<hbm>>) target_semaphore(%arg10 : memref<!tpu.dma_semaphore, #tpu.memory_space<semaphore_mem>>)
    %dma_wait3A_59 = arith.constant 256 : i32
    %dma_wait3A_60 = tpu.memref_slice %arg6[%dma_wait3A_59] : memref<512xi32, #tpu.memory_space<vmem>> -> memref<128xi32, #tpu.memory_space<vmem>>
    %dma_wait3A_61 = arith.constant 256 : i32
    %dma_wait3A_62 = tpu.memref_slice %arg5[%dma_wait3A_61] : memref<512xi32, #tpu.memory_space<vmem>> -> memref<128xi32, #tpu.memory_space<vmem>>
    %dma_wait3A_63 = arith.constant 0 : i32
    %dma_wait3A_64 = tpu.memref_slice %arg7[%dma_wait3A_63] : memref<100000xi32, #tpu.memory_space<vmem_shared>> -> memref<100000xi32, #tpu.memory_space<vmem_shared>>
    tpu.wait_indirect_dma semaphore(%arg13 : memref<!tpu.dma_semaphore, #tpu.memory_space<semaphore_mem>>) src(%dma_wait3A_64 : memref<100000xi32, #tpu.memory_space<vmem_shared>>) dst(%dma_wait3A_60 : memref<128xi32, #tpu.memory_space<vmem>>)
    %add3A_65 = arith.constant 256 : i32
    %add3A_66 = arith.addi %mul3A_2, %add3A_65 : i32
    %dma_start3A_67 = arith.constant 256 : i32
    %dma_start3A_68 = tpu.memref_slice %arg6[%dma_start3A_67] : memref<512xi32, #tpu.memory_space<vmem>> -> memref<128xi32, #tpu.memory_space<vmem>>
    %dma_start3A_69 = tpu.memref_slice %arg4[%add3A_66] : memref<16384xi32, #tpu.memory_space<hbm>> -> memref<128xi32, #tpu.memory_space<hbm>>
    %dma_start3A_70 = tpu.memref_slice %arg4[%add3A_66] : memref<16384xi32, #tpu.memory_space<hbm>> -> memref<128xi32, #tpu.memory_space<hbm>>
    %dma_start3A_71 = arith.constant 256 : i32
    %dma_start3A_72 = tpu.memref_slice %arg6[%dma_start3A_71] : memref<512xi32, #tpu.memory_space<vmem>> -> memref<128xi32, #tpu.memory_space<vmem>>
    tpu.enqueue_dma source(%dma_start3A_72 : memref<128xi32, #tpu.memory_space<vmem>>) target(%dma_start3A_70 : memref<128xi32, #tpu.memory_space<hbm>>) target_semaphore(%arg10 : memref<!tpu.dma_semaphore, #tpu.memory_space<semaphore_mem>>)
    %dma_wait3A_73 = arith.constant 384 : i32
    %dma_wait3A_74 = tpu.memref_slice %arg6[%dma_wait3A_73] : memref<512xi32, #tpu.memory_space<vmem>> -> memref<128xi32, #tpu.memory_space<vmem>>
    %dma_wait3A_75 = arith.constant 384 : i32
    %dma_wait3A_76 = tpu.memref_slice %arg5[%dma_wait3A_75] : memref<512xi32, #tpu.memory_space<vmem>> -> memref<128xi32, #tpu.memory_space<vmem>>
    %dma_wait3A_77 = arith.constant 0 : i32
    %dma_wait3A_78 = tpu.memref_slice %arg7[%dma_wait3A_77] : memref<100000xi32, #tpu.memory_space<vmem_shared>> -> memref<100000xi32, #tpu.memory_space<vmem_shared>>
    tpu.wait_indirect_dma semaphore(%arg14 : memref<!tpu.dma_semaphore, #tpu.memory_space<semaphore_mem>>) src(%dma_wait3A_78 : memref<100000xi32, #tpu.memory_space<vmem_shared>>) dst(%dma_wait3A_74 : memref<128xi32, #tpu.memory_space<vmem>>)
    %add3A_79 = arith.constant 384 : i32
    %add3A_80 = arith.addi %mul3A_2, %add3A_79 : i32
    %dma_start3A_81 = arith.constant 384 : i32
    %dma_start3A_82 = tpu.memref_slice %arg6[%dma_start3A_81] : memref<512xi32, #tpu.memory_space<vmem>> -> memref<128xi32, #tpu.memory_space<vmem>>
    %dma_start3A_83 = tpu.memref_slice %arg4[%add3A_80] : memref<16384xi32, #tpu.memory_space<hbm>> -> memref<128xi32, #tpu.memory_space<hbm>>
    %dma_start3A_84 = tpu.memref_slice %arg4[%add3A_80] : memref<16384xi32, #tpu.memory_space<hbm>> -> memref<128xi32, #tpu.memory_space<hbm>>
    %dma_start3A_85 = arith.constant 384 : i32
    %dma_start3A_86 = tpu.memref_slice %arg6[%dma_start3A_85] : memref<512xi32, #tpu.memory_space<vmem>> -> memref<128xi32, #tpu.memory_space<vmem>>
    tpu.enqueue_dma source(%dma_start3A_86 : memref<128xi32, #tpu.memory_space<vmem>>) target(%dma_start3A_84 : memref<128xi32, #tpu.memory_space<hbm>>) target_semaphore(%arg10 : memref<!tpu.dma_semaphore, #tpu.memory_space<semaphore_mem>>)
    %add3A_87 = arith.constant 0 : i32
    %add3A_88 = arith.addi %mul3A_2, %add3A_87 : i32
    %dma_wait3A_89 = arith.constant 0 : i32
    %dma_wait3A_90 = tpu.memref_slice %arg6[%dma_wait3A_89] : memref<512xi32, #tpu.memory_space<vmem>> -> memref<128xi32, #tpu.memory_space<vmem>>
    %dma_wait3A_91 = tpu.memref_slice %arg4[%add3A_88] : memref<16384xi32, #tpu.memory_space<hbm>> -> memref<128xi32, #tpu.memory_space<hbm>>
    %dma_wait3A_92 = tpu.memref_slice %arg4[%add3A_88] : memref<16384xi32, #tpu.memory_space<hbm>> -> memref<128xi32, #tpu.memory_space<hbm>>
    %dma_wait3A_93 = arith.constant 0 : i32
    %dma_wait3A_94 = tpu.memref_slice %arg6[%dma_wait3A_93] : memref<512xi32, #tpu.memory_space<vmem>> -> memref<128xi32, #tpu.memory_space<vmem>>
    tpu.wait_dma2 semaphore(%arg10 : memref<!tpu.dma_semaphore, #tpu.memory_space<semaphore_mem>>) src(%dma_wait3A_94 : memref<128xi32, #tpu.memory_space<vmem>>) dst(%dma_wait3A_92 : memref<128xi32, #tpu.memory_space<hbm>>)
    %add3A_95 = arith.constant 128 : i32
    %add3A_96 = arith.addi %mul3A_2, %add3A_95 : i32
    %dma_wait3A_97 = arith.constant 128 : i32
    %dma_wait3A_98 = tpu.memref_slice %arg6[%dma_wait3A_97] : memref<512xi32, #tpu.memory_space<vmem>> -> memref<128xi32, #tpu.memory_space<vmem>>
    %dma_wait3A_99 = tpu.memref_slice %arg4[%add3A_96] : memref<16384xi32, #tpu.memory_space<hbm>> -> memref<128xi32, #tpu.memory_space<hbm>>
    %dma_wait3A_100 = tpu.memref_slice %arg4[%add3A_96] : memref<16384xi32, #tpu.memory_space<hbm>> -> memref<128xi32, #tpu.memory_space<hbm>>
    %dma_wait3A_101 = arith.constant 128 : i32
    %dma_wait3A_102 = tpu.memref_slice %arg6[%dma_wait3A_101] : memref<512xi32, #tpu.memory_space<vmem>> -> memref<128xi32, #tpu.memory_space<vmem>>
    tpu.wait_dma2 semaphore(%arg10 : memref<!tpu.dma_semaphore, #tpu.memory_space<semaphore_mem>>) src(%dma_wait3A_102 : memref<128xi32, #tpu.memory_space<vmem>>) dst(%dma_wait3A_100 : memref<128xi32, #tpu.memory_space<hbm>>)
    %add3A_103 = arith.constant 256 : i32
    %add3A_104 = arith.addi %mul3A_2, %add3A_103 : i32
    %dma_wait3A_105 = arith.constant 256 : i32
    %dma_wait3A_106 = tpu.memref_slice %arg6[%dma_wait3A_105] : memref<512xi32, #tpu.memory_space<vmem>> -> memref<128xi32, #tpu.memory_space<vmem>>
    %dma_wait3A_107 = tpu.memref_slice %arg4[%add3A_104] : memref<16384xi32, #tpu.memory_space<hbm>> -> memref<128xi32, #tpu.memory_space<hbm>>
    %dma_wait3A_108 = tpu.memref_slice %arg4[%add3A_104] : memref<16384xi32, #tpu.memory_space<hbm>> -> memref<128xi32, #tpu.memory_space<hbm>>
    %dma_wait3A_109 = arith.constant 256 : i32
    %dma_wait3A_110 = tpu.memref_slice %arg6[%dma_wait3A_109] : memref<512xi32, #tpu.memory_space<vmem>> -> memref<128xi32, #tpu.memory_space<vmem>>
    tpu.wait_dma2 semaphore(%arg10 : memref<!tpu.dma_semaphore, #tpu.memory_space<semaphore_mem>>) src(%dma_wait3A_110 : memref<128xi32, #tpu.memory_space<vmem>>) dst(%dma_wait3A_108 : memref<128xi32, #tpu.memory_space<hbm>>)
    %add3A_111 = arith.constant 384 : i32
    %add3A_112 = arith.addi %mul3A_2, %add3A_111 : i32
    %dma_wait3A_113 = arith.constant 384 : i32
    %dma_wait3A_114 = tpu.memref_slice %arg6[%dma_wait3A_113] : memref<512xi32, #tpu.memory_space<vmem>> -> memref<128xi32, #tpu.memory_space<vmem>>
    %dma_wait3A_115 = tpu.memref_slice %arg4[%add3A_112] : memref<16384xi32, #tpu.memory_space<hbm>> -> memref<128xi32, #tpu.memory_space<hbm>>
    %dma_wait3A_116 = tpu.memref_slice %arg4[%add3A_112] : memref<16384xi32, #tpu.memory_space<hbm>> -> memref<128xi32, #tpu.memory_space<hbm>>
    %dma_wait3A_117 = arith.constant 384 : i32
    %dma_wait3A_118 = tpu.memref_slice %arg6[%dma_wait3A_117] : memref<512xi32, #tpu.memory_space<vmem>> -> memref<128xi32, #tpu.memory_space<vmem>>
    tpu.wait_dma2 semaphore(%arg10 : memref<!tpu.dma_semaphore, #tpu.memory_space<semaphore_mem>>) src(%dma_wait3A_118 : memref<128xi32, #tpu.memory_space<vmem>>) dst(%dma_wait3A_116 : memref<128xi32, #tpu.memory_space<hbm>>)
    return
  }
}

</mosaic_0001>

<sc_bundles>
// kernel: kernel.3.cloned.1.call-start
scs
__scs_entry_jumppad:
0x0: {  	(pc) =	sbr.rel $0x88, $3  }
0x1: {  	(tag) =	ssettag $0x0;
	lr =	simm.s32 $0x1  }
0x2: {  	[smem:$0x3F9F] =	sst lr;
	_ =	strace $0xD0000000  }
0x3: {  	_ = 	snop  }
0x4: {  	_ = 	snop  }
0x5: {  	_ = 	snop  }
0x6: {  	_ = 	snop  }
0x7: {  	_ = 	snop  }
__scs_overlays_trampoline_lowered:
0x8: {  	[smem:$0x3FAE] =	sst s0  }
0x9: {  	[smem:$0x3FAF] =	sst s1  }
0xa: {  	[smem:$0x3FB0] =	sst s2  }
0xb: {  	[smem:$0x3FB1] =	sst s3  }
0xc: {  	[smem:$0x3FB2] =	sst s4  }
0xd: {  	[smem:$0x3FB3] =	sst s5  }
0xe: {  	[smem:$0x3FB4] =	sst s6  }
0xf: {  	[smem:$0x3FB5] =	sst s7  }
0x10: {  	[smem:$0x3FB6] =	sst s8  }
0x11: {  	[smem:$0x3FB7] =	sst s9;
	s0 =	simm.s32 @!p0 $0x0  }
0x12: {  	s1 =	sld [smem:$0x3F9D];
	s0 =	simm.s32 @p0 $0x1  }
0x13: {  	[smem:$0x3FB8] =	sst s0;
	s0 =	simm.s32 @!p1 $0x0  }
0x14: {  	s2 =	sld [smem:$0x3F9C];
	s0 =	simm.s32 @p1 $0x1  }
0x15: {  	[smem:$0x3FB9] =	sst s0;
	s0 =	simm.s32 @!p2 $0x0  }
0x16: {  	s3 =	sld [smem:$0x3FDB];
	s0 =	simm.s32 @p2 $0x1  }
0x17: {  	s4 =	simm.s32 $0x1BF5;
	[smem:$0x3FBB] =	sst s0  }
0x18: {  	s0 =	sld [smem:$0x3F9E];
	_ =	swait.ge [sflag:s4], $0x0  }
0x19: {  	s7 =	sld [smem:$0x3F9F]  }
0x1a: {  	s8 =	sadd.s32 $0xFFFFE003, lr  }
0x1b: {  	s9 =	sadd.s32 $0xFFFFFEF7, lr;
	s5 =	simm.s32 $0xFFFFFFFF;
	p2 =	slt.u32 s8, $0xFFFFF086  }
0x1c: {  	p1 =	slt.u32 s9, $0xF7A;
	s5 =	simm.s32 @!p2 $0x0  }
0x1d: {  	s5 =	simm.s32 @p1 $0x1;
	p0 =	seq.s32 s7, s2  }
0x1e: {  	s7 =	smul.u32 @!p0 $0xF7A, s2;
	p2 =	seq.s32 @!p0 s5, $0x0  }
0x1f: {  	s9 =	smul.u32 $0xF7A, s1;
	s8 =	simm.s32 @!p0 $0x1BF5;
	p2 =	por !p2, p0  }
0x20: {  	[sflag:s8] =	ssyncset.s32 @!p0 $0xFFFFF086;
	s6 =	sadd.s32 @!p0 s3, s7;
	s7 =	simm.s32 @!p0 $0x108  }
0x21: {  	s3 =	sadd.s32 s3, s9;
	s6 =	sadd.s32 @!p0 $0x88, s6;
	s7 =	simm.s32 @p2 $0x1082  }
0x22: {  	[simem:s7], [sflag:s8] =	dma.local @!p0 [hbm:s6], $0xF7A  }
0x23: {  	s9 =	sor.u32 $0xD0000000, s2;
	s6 =	simm.s32 $0x108;
	_ =	swait.ge @!p0 [sflag:s8], $0x0  }
0x24: {  	s3 =	sadd.s32 $0x88, s3;
	s6 =	simm.s32 @!p1 $0x1082;
	[sflag:s4] =	ssyncset.s32 $0xFFFFF086  }
0x25: {  	[simem:s6], [sflag:s4] =	dma.local [hbm:s3], $0xF7A  }
0x26: {  	[smem:$0x3F9F] =	sst s1;
	(tag) =	ssettag s2;
	_ =	strace s9  }
0x27: {  	s1 =	sld [smem:$0x3FAF]  }
0x28: {  	s2 =	sld [smem:$0x3FB0]  }
0x29: {  	s4 =	sld [smem:$0x3FB2]  }
0x2a: {  	p0 =	seq.s32 s5, $0x0;
	s5 =	sld [smem:$0x3FB3]  }
0x2b: {  	s6 =	sld [smem:$0x3FB4]  }
0x2c: {  	s7 =	sld [smem:$0x3FB5]  }
0x2d: {  	s3 =	simm.s32 $0x108;
	s8 =	sld [smem:$0x3FB6]  }
0x2e: {  	s3 =	simm.s32 @!p0 $0x1082;
	s9 =	sld [smem:$0x3FB7]  }
0x2f: {  	lr =	sadd.s32 s0, s3;
	s0 =	sld [smem:$0x3FAE]  }
0x30: {  	s3 =	sld [smem:$0x3FB1]  }
0x31: {  	[smem:$0x3FBA] =	sst s10  }
0x32: {  	s10 =	sld [smem:$0x3FB8];
	_ =	sdelay $0x3  }
0x33: {  	p0 =	seq.s32 s10, $0x1;
	s10 =	sld [smem:$0x3FBA];
	_ =	sdelay $0x3  }
0x34: {  	[smem:$0x3FBA] =	sst s10  }
0x35: {  	s10 =	sld [smem:$0x3FB9];
	_ =	sdelay $0x3  }
0x36: {  	p1 =	seq.s32 s10, $0x1;
	s10 =	sld [smem:$0x3FBA];
	_ =	sdelay $0x3  }
0x37: {  	[smem:$0x3FBA] =	sst s10  }
0x38: {  	s10 =	sld [smem:$0x3FBB]  }
0x39: {  	_ = 	snop;
	(pc) =	sbr.ind lr, $3  }
0x3a: {  	_ = 	snop  }
0x3b: {  	_ = 	snop  }
0x3c: {  	p2 =	seq.s32 s10, $0x1;
	s10 =	sld [smem:$0x3FBA]  }
0x3d: {  	_ =	shalt  }
0x3e: {  	_ =	shalt  }
0x3f: {  	_ =	shalt  }
0x40: {  	_ =	shalt  }
0x41: {  	_ =	shalt  }
0x42: {  	_ =	shalt  }
0x43: {  	_ =	shalt  }
0x44: {  	_ =	shalt  }
0x45: {  	_ =	shalt  }
0x46: {  	_ =	shalt  }
0x47: {  	_ =	shalt  }
0x48: {  	_ =	shalt  }
0x49: {  	_ =	shalt  }
0x4a: {  	_ =	shalt  }
0x4b: {  	_ =	shalt  }
0x4c: {  	_ =	shalt  }
0x4d: {  	_ =	shalt  }
0x4e: {  	_ =	shalt  }
0x4f: {  	_ =	shalt  }
0x50: {  	_ =	shalt  }
0x51: {  	_ =	shalt  }
0x52: {  	_ =	shalt  }
0x53: {  	_ =	shalt  }
0x54: {  	_ =	shalt  }
0x55: {  	_ =	shalt  }
0x56: {  	_ =	shalt  }
0x57: {  	_ =	shalt  }
0x58: {  	_ =	shalt  }
0x59: {  	_ =	shalt  }
0x5a: {  	_ =	shalt  }
0x5b: {  	_ =	shalt  }
0x5c: {  	_ =	shalt  }
0x5d: {  	_ =	shalt  }
0x5e: {  	_ =	shalt  }
0x5f: {  	_ =	shalt  }
0x60: {  	_ =	shalt  }
0x61: {  	_ =	shalt  }
0x62: {  	_ =	shalt  }
0x63: {  	_ =	shalt  }
0x64: {  	_ =	shalt  }
0x65: {  	_ =	shalt  }
0x66: {  	_ =	shalt  }
0x67: {  	_ =	shalt  }
0x68: {  	_ =	shalt  }
0x69: {  	_ =	shalt  }
0x6a: {  	_ =	shalt  }
0x6b: {  	_ =	shalt  }
0x6c: {  	_ =	shalt  }
0x6d: {  	_ =	shalt  }
0x6e: {  	_ =	shalt  }
0x6f: {  	_ =	shalt  }
0x70: {  	_ =	shalt  }
0x71: {  	_ =	shalt  }
0x72: {  	_ =	shalt  }
0x73: {  	_ =	shalt  }
0x74: {  	_ =	shalt  }
0x75: {  	_ =	shalt  }
0x76: {  	_ =	shalt  }
0x77: {  	_ =	shalt  }
0x78: {  	_ =	shalt  }
0x79: {  	_ =	shalt  }
0x7a: {  	_ =	shalt  }
0x7b: {  	_ =	shalt  }
0x7c: {  	_ =	shalt  }
0x7d: {  	_ =	shalt  }
0x7e: {  	_ =	shalt  }
0x7f: {  	_ =	shalt  }
0x80: {  	_ =	shalt  }
0x81: {  	_ =	shalt  }
0x82: {  	_ =	shalt  }
0x83: {  	_ =	shalt  }
0x84: {  	_ =	shalt  }
0x85: {  	_ =	shalt  }
0x86: {  	_ =	shalt  }
0x87: {  	_ =	shalt  }
.Lfunc_end0:
.L_simem_size_0:
called_computation_lowered:
.L_overlay_start_0:
0x88: {  	s2 =	sld [smem:$0x3FD9]  }
0x89: {  	s3 =	sld [smem:$0x3FFE];
	_ =	sdelay $0x1  }
0x8a: {  	s1 =	srdreg.scid  }
0x8b: {  	s0 =	sand.u32 $0x1, s1  }
0x8c: {  	s18 =	sshll.u32 s0, $0xA;
	s2 =	sadd.s32 s3, s2  }
0x8d: {  	s2 =	sadd.s32 s2, s18  }
0x8e: {  	[smem:$0x3FC6] =	sst s2  }
0x8f: {  	_ = 	snop  }
0x90: {  	s2 =	sld [smem:$0x3FC9]  }
0x91: {  	s19 =	sld [smem:$0x3FC8]  }
0x92: {  	s4 =	sld [smem:$0x3FD0];
	(tm) =	ssettm $0x1  }
0x93: {  	s5 =	sld [smem:$0x3FFB];
	_ =	sdelay $0x3  }
0x94: {  	_ =	strace s5  }
0x95: {  	s5 =	sld [smem:$0x3FFC];
	_ =	sdelay $0x3  }
0x96: {  	_ =	strace s5  }
0x97: {  	s5 =	sld [smem:$0x3FFD];
	_ =	sdelay $0x3  }
0x98: {  	_ =	strace s5  }
0x99: {  	_ =	strace $0x8FFFFFFF  }
0x9a: {  	s20 =	sld [smem:$0x3FDB];
	_ =	sdelay $0x1  }
0x9b: {  	s6 =	simm.s32 $_scs_section_size  }
0x9c: {  	s7 =	simm.s32 $_size__tile_overlayer_lowered;
	s8 =	simm.s32 $_tile_overlayer_lowered  }
0x9d: {  	s23 =	simm.s32 $0x1BFF;
	s22 =	sshll.u32 s8, $0x1;
	s5 =	sadd.s32 s6, s20  }
0x9e: {  	s9 =	simm.s32 $0x0;
	s21 =	sshll.u32 s7, $0x1;
	s7 =	sadd.s32 s22, s5  }
0x9f: {  	[timem:s9], [sflag:s23] =	dma.local [hbm:s7], s21  }
0xa0: {  	_ =	swait.ge [sflag:s23], s21  }
0xa1: {  	s6 =	ssub.s32 $0x0, s21;
	[sflag:s23] =	ssyncset.done $0x0  }
0xa2: {  	[sflag:s23] =	ssyncadd.s32 s6;
	_ =	sdelay $0x1  }
0xa3: {  	s24 =	simm.s32 $0x1B8B  }
0xa4: {  	_ =	swait.ge [sflag:s24], $0x1  }
0xa5: {  	[sflag:s24] =	ssyncset.done $0x0  }
0xa6: {  	s25 =	simm.s32 $0x1B8E;
	[sflag:s24] =	ssyncadd.s32 $0xFFFFFFFF  }
0xa7: {  	s26 =	simm.s32 $execute0_lowered;
	[smem:$0x3FD2] =	sst s25  }
0xa8: {  	s6 =	sshll.u32 s26, $0x1;
	_ =	strace $0x80000046;
	[dreg:$0x1] =	wrdreg $0xFFFFFFFF  }
0xa9: {  	s28 =	simm.s32 $_size_execute0_lowered;
	s5 =	sadd.s32 s5, s6;
	[dreg:$0x0] =	wrdreg $0x0  }
0xaa: {  	s6 =	sshll.u32 s28, $0x1;
	[dreg:$0x2] =	wrdreg s5  }
0xab: {  	[dreg:$0x3] =	wrdreg s6  }
0xac: {  	[dreg:$0x4] =	wrdreg $0xC0  }
0xad: {  	_ =	task [dreg:s9], $0x5FFFF  }
0xae: {  	[dreg:$0x1] =	wrdreg $0xFFFFFFFF  }
0xaf: {  	[dreg:$0x0] =	wrdreg $0x60  }
0xb0: {  	[dreg:$0x2] =	wrdreg s2  }
0xb1: {  	[dreg:$0x3] =	wrdreg s19  }
0xb2: {  	[dreg:$0x4] =	wrdreg s4  }
0xb3: {  	[dreg:$0x5] =	wrdreg $0x4000  }
0xb4: {  	[dreg:$0x6] =	wrdreg $0x9  }
0xb5: {  	_ =	task.clear_ibuf [dreg:s9], $0x7FFFF;
	_ =	strace $0x90000046  }
0xb6: {  	s29 =	simm.s32 $0x9;
	_ =	strace $0x80000048  }
0xb7: {  	_ =	swait.ge [sflag:s29], $0x1  }
0xb8: {  	[sflag:s29] =	ssyncadd.s32 $0xFFFFFFFF  }
0xb9: {  	_ =	strace $0x90000048  }
0xba: {  	_ =	sfence  }
0xbb: {  	s30 =	sld [smem:$0x0];
	_ =	sdelay $0x2  }
0xbc: {  	s31 =	sshll.u32 s1, $0xD;
	s1 =	sshrl.u32 s1, $0x2  }
0xbd: {  	s3 =	sand.u32 $0x4000, s31;
	s1 =	sadd.s32 s1, s30  }
0xbe: {  	s0 =	sor.u32 s3, s0;
	s1 =	sshll.u32 s1, $0x11  }
0xbf: {  	s0 =	sor.u32 s1, s0  }
0xc0: {  	s0 =	sadd.s32 $0x8F2B, s0  }
0xc1: {  	[sflag:s0] =	ssyncadd.remote.s32 $0x1  }
0xc2: {  	_ =	sfence.sel $0xFFFF  }
0xc3: {  	[dreg:$0x0] =	wrdreg $0xFFFFFFFF;
	(pc) =	sbr.abs _section_cstart, $3  }
0xc4: {  	[dreg:$0x1] =	wrdreg $0xFFFFFFFF  }
0xc5: {  	_ =	task.clear_ibuf [dreg:s9], $0x2FFFF;
	_ =	strace $0x9FFFFFFF  }
0xc6: {  	(tm) =	ssettm $0x7FFFFFFF  }
0xc7: {  	_ =	shalt  }
tec
execute0_lowered:
.L_overlay_start_1:
0x0: {  	(tag) =	ssettag $0x1  }
0x1: {  	s4 =	rddreg [dreg:$0x0]  }
0x2: {  	s1 =	rddreg [dreg:$0x1]  }
0x3: {  	s17 =	rddreg [dreg:$0x2]  }
0x4: {  	s2 =	rddreg [dreg:$0x3];
	s3 =	srdreg.scid  }
0x5: {  	s0 =	rddreg [dreg:$0x4];
	s5 =	stileid.u32  }
0x6: {  	s25 =	sand.u32 $0x1, s3;
	s3 =	simm.s32 $0x0;
	s6 =	sshll.u32 s5, $0x7  }
0x7: {  	p0 =	sne.s32 s5, $0x0;
	s7 =	sshll.u32 s25, $0x6;
	[smem:$0x7FF] =	sst s3  }
0x8: {  	s5 =	sshrl.u32 @!p0 s2, $0x3;
	s18 =	sor.u32 s7, s6;
	_ =	strace $0x80000047  }
0x9: {  	s6 =	simm.s32 @!p0 $0x1C02;
	s7 =	simm.s32 @!p0 $0x2;
	s4 =	sadd.s32 s4, s18  }
0xa: {  	[tilespmem:s3], [sflag:$0x1] =	stream.linear.gather [hbm4b:s4+s3], $0x200, $0x38;
	[tilespmem:$0x1C70] =	vst v63  }
0xb: {  	[spmem:s5], [sflag:s6] =	dma.local @!p0 [hbm:s1], $0x30E0  }
0xc: {  	_ =	swait.ge @!p0 [sflag:s7], $0x30E0  }
0xd: {  	[sflag:s7] =	ssyncset.done @!p0 $0x0  }
0xe: {  	s8 =	simm.s32 $0x1;
	[sflag:s7] =	ssyncadd.s32 @!p0 $0xFFFFCF20  }
0xf: {  	_ =	swait.ge [sflag:s8], $0x200  }
0x10: {  	[sflag:s8] =	ssyncset.done $0x0  }
0x11: {  	[sflag:s8] =	ssyncadd.s32 $0xFFFFFE00  }
0x12: {  	s9 =	simm.s32 $0x80;
	s10 =	simm.s32 $0x200;
	[bflag:$0x0] =	sbarrier.arrive $0xFFFF  }
0x13: {  	[tilespmem:s10], [sflag:$0x4] =	stream.indirect.gather [spmem:s2], $0x1, s3, s9, $0xb8;
	[tilespmem:$0x1C70] =	vst v63  }
0x14: {  	s11 =	simm.s32 $0x280  }
0x15: {  	[tilespmem:s11], [sflag:$0x5] =	stream.indirect.gather [spmem:s2], $0x1, s9, s9, $0xb8;
	[tilespmem:$0x1C70] =	vst v63  }
0x16: {  	s12 =	simm.s32 $0x100;
	s13 =	simm.s32 $0x300  }
0x17: {  	[tilespmem:s13], [sflag:$0x6] =	stream.indirect.gather [spmem:s2], $0x1, s12, s9, $0xb8;
	[tilespmem:$0x1C70] =	vst v63  }
0x18: {  	s14 =	simm.s32 $0x180;
	s15 =	simm.s32 $0x380;
	s16 =	simm.s32 $0x4  }
0x19: {  	[tilespmem:s15], [sflag:$0x7] =	stream.indirect.gather [spmem:s2], $0x1, s14, s9, $0xb8;
	[tilespmem:$0x1C70] =	vst v63  }
0x1a: {  	_ =	swait.ge [sflag:s16], $0x80  }
0x1b: {  	[sflag:s16] =	ssyncset.done $0x0  }
0x1c: {  	s17 =	sadd.s32 s17, s18;
	s18 =	simm.s32 $0x5;
	[sflag:s16] =	ssyncadd.s32 $0xFFFFFF80  }
0x1d: {  	[hbm4b:s17+s3] =	stream.linear.scatter [tilespmem:s10], [sflag:$0x3], $0x80, $0x38;
	[tilespmem:$0x1C70] =	vst v63  }
0x1e: {  	_ =	swait.ge [sflag:s18], $0x80  }
0x1f: {  	[sflag:s18] =	ssyncset.done $0x0  }
0x20: {  	s20 =	simm.s32 $0x6;
	s19 =	sadd.s32 $0x10, s17;
	[sflag:s18] =	ssyncadd.s32 $0xFFFFFF80  }
0x21: {  	[hbm4b:s19+s3] =	stream.linear.scatter [tilespmem:s11], [sflag:$0x3], $0x80, $0x38;
	[tilespmem:$0x1C70] =	vst v63  }
0x22: {  	_ =	swait.ge [sflag:s20], $0x80  }
0x23: {  	[sflag:s20] =	ssyncset.done $0x0  }
0x24: {  	s22 =	simm.s32 $0x7;
	s21 =	sadd.s32 $0x20, s17;
	[sflag:s20] =	ssyncadd.s32 $0xFFFFFF80  }
0x25: {  	[hbm4b:s21+s3] =	stream.linear.scatter [tilespmem:s13], [sflag:$0x3], $0x80, $0x38;
	[tilespmem:$0x1C70] =	vst v63  }
0x26: {  	_ =	swait.ge [sflag:s22], $0x80  }
0x27: {  	[sflag:s22] =	ssyncset.done $0x0  }
0x28: {  	s23 =	simm.s32 $0x3;
	s24 =	sadd.s32 $0x30, s17;
	[sflag:s22] =	ssyncadd.s32 $0xFFFFFF80  }
0x29: {  	[hbm4b:s24+s3] =	stream.linear.scatter [tilespmem:s15], [sflag:$0x3], $0x80, $0x38;
	[tilespmem:$0x1C70] =	vst v63  }
0x2a: {  	s25 =	ssub.s32 $0x2, s25;
	_ =	swait.ge [sflag:s23], $0x80  }
0x2b: {  	s26 =	sshrl.u32 s25, $0x1;
	[sflag:s23] =	ssyncset.done $0x0  }
0x2c: {  	s25 =	ssub.s32 s25, s26;
	[sflag:s23] =	ssyncadd.s32 $0xFFFFFF80  }
0x2d: {  	s25 =	smax.u32 s25, $0x1;
	_ =	swait.ge [sflag:s23], $0x80  }
0x2e: {  	s25 =	sadd.s32 $0xFFFFFFFF, s25;
	[sflag:s23] =	ssyncset.done $0x0  }
0x2f: {  	p1 =	sne.s32 s25, $0x0;
	[sflag:s23] =	ssyncadd.s32 $0xFFFFFF80  }
.Ltmp0:
0x30: {  	_ =	swait.ge [sflag:s23], $0x80;
	(pc) =	sbr.rel @!p1 .LBB2_2-.Ltmp0, $4  }
0x31: {  	[sflag:s23] =	ssyncset.done $0x0  }
0x32: {  	[sflag:s23] =	ssyncadd.s32 $0xFFFFFF80  }
0x33: {  	_ =	swait.ge [sflag:s23], $0x80  }
0x34: {  	[sflag:s23] =	ssyncset.done $0x0  }
.LBB2_1:
0x35: {  	[sflag:s23] =	ssyncadd.s32 $0xFFFFFF80  }
0x36: {  	[tilespmem:s3], [sflag:$0x1] =	stream.linear.gather [hbm4b:s4+s3], $0x200, $0x38;
	[tilespmem:$0x1C70] =	vst v63  }
0x37: {  	[spmem:s5], [sflag:s6] =	dma.local @!p0 [hbm:s1], $0x30E0  }
0x38: {  	s25 =	sadd.s32 $0xFFFFFFFF, s25;
	_ =	swait.ge @!p0 [sflag:s7], $0x30E0  }
0x39: {  	p1 =	sne.s32 s25, $0x0;
	[sflag:s7] =	ssyncset.done @!p0 $0x0  }
0x3a: {  	[sflag:s7] =	ssyncadd.s32 @!p0 $0xFFFFCF20  }
0x3b: {  	_ =	swait.ge [sflag:s8], $0x200  }
0x3c: {  	[sflag:s8] =	ssyncset.done $0x0  }
0x3d: {  	[sflag:s8] =	ssyncadd.s32 $0xFFFFFE00  }
0x3e: {  	[bflag:$0x0] =	sbarrier.arrive $0xFFFF  }
0x3f: {  	[tilespmem:s10], [sflag:$0x4] =	stream.indirect.gather [spmem:s2], $0x1, s3, s9, $0xb8;
	[tilespmem:$0x1C70] =	vst v63  }
0x40: {  	_ = 	snop  }
0x41: {  	[tilespmem:s11], [sflag:$0x5] =	stream.indirect.gather [spmem:s2], $0x1, s9, s9, $0xb8;
	[tilespmem:$0x1C70] =	vst v63  }
0x42: {  	_ = 	snop  }
0x43: {  	[tilespmem:s13], [sflag:$0x6] =	stream.indirect.gather [spmem:s2], $0x1, s12, s9, $0xb8;
	[tilespmem:$0x1C70] =	vst v63  }
0x44: {  	_ = 	snop  }
0x45: {  	[tilespmem:s15], [sflag:$0x7] =	stream.indirect.gather [spmem:s2], $0x1, s14, s9, $0xb8;
	[tilespmem:$0x1C70] =	vst v63  }
0x46: {  	_ =	swait.ge [sflag:s16], $0x80  }
0x47: {  	[sflag:s16] =	ssyncset.done $0x0  }
0x48: {  	[sflag:s16] =	ssyncadd.s32 $0xFFFFFF80  }
0x49: {  	[hbm4b:s17+s3] =	stream.linear.scatter [tilespmem:s10], [sflag:$0x3], $0x80, $0x38;
	[tilespmem:$0x1C70] =	vst v63  }
0x4a: {  	_ =	swait.ge [sflag:s18], $0x80  }
0x4b: {  	[sflag:s18] =	ssyncset.done $0x0  }
0x4c: {  	[sflag:s18] =	ssyncadd.s32 $0xFFFFFF80  }
0x4d: {  	[hbm4b:s19+s3] =	stream.linear.scatter [tilespmem:s11], [sflag:$0x3], $0x80, $0x38;
	[tilespmem:$0x1C70] =	vst v63  }
0x4e: {  	_ =	swait.ge [sflag:s20], $0x80  }
0x4f: {  	[sflag:s20] =	ssyncset.done $0x0  }
0x50: {  	[sflag:s20] =	ssyncadd.s32 $0xFFFFFF80  }
0x51: {  	[hbm4b:s21+s3] =	stream.linear.scatter [tilespmem:s13], [sflag:$0x3], $0x80, $0x38;
	[tilespmem:$0x1C70] =	vst v63  }
0x52: {  	_ =	swait.ge [sflag:s22], $0x80  }
0x53: {  	[sflag:s22] =	ssyncset.done $0x0  }
0x54: {  	[sflag:s22] =	ssyncadd.s32 $0xFFFFFF80  }
0x55: {  	[hbm4b:s24+s3] =	stream.linear.scatter [tilespmem:s15], [sflag:$0x3], $0x80, $0x38;
	[tilespmem:$0x1C70] =	vst v63  }
0x56: {  	_ =	swait.ge [sflag:s23], $0x80  }
0x57: {  	[sflag:s23] =	ssyncset.done $0x0  }
0x58: {  	[sflag:s23] =	ssyncadd.s32 $0xFFFFFF80  }
0x59: {  	_ =	swait.ge [sflag:s23], $0x80  }
0x5a: {  	[sflag:s23] =	ssyncset.done $0x0  }
0x5b: {  	[sflag:s23] =	ssyncadd.s32 $0xFFFFFF80  }
.Ltmp1:
0x5c: {  	_ =	swait.ge [sflag:s23], $0x80;
	(pc) =	sbr.rel @p1 .LBB2_1-.Ltmp1, $4  }
0x5d: {  	[sflag:s23] =	ssyncset.done $0x0  }
0x5e: {  	[sflag:s23] =	ssyncadd.s32 $0xFFFFFF80  }
0x5f: {  	_ =	swait.ge [sflag:s23], $0x80  }
0x60: {  	[sflag:s23] =	ssyncset.done $0x0  }
.LBB2_2:
0x61: {  	[sflag:s23] =	ssyncadd.s32 $0xFFFFFF80  }
0x62: {  	_ =	sfence.sel $0x180000  }
0x63: {  	[bflag:$0x0] =	sbarrier.arrive $0xFFFF  }
0x64: {  	_ =	strace $0x90000047  }
0x65: {  	s0 =	sadd.s32 @!p0 $0x100000, s0;
	[bflag:$0x2] =	sbarrier.arrive $0xFFFF  }
0x66: {  	[sflag:s0] =	ssyncadd.tile.s32 @!p0 $0x1;
	_ =	shalt  }
.Lfunc_end2:
_tile_overlayer_lowered:
.L_overlay_start_2:
0x67: {  	(tag) =	ssettag $0x2  }
0x68: {  	s0 =	rddreg [dreg:$0x0];
	s2 =	stileid.u32  }
0x69: {  	s1 =	rddreg [dreg:$0x1];
	p0 =	sne.s32 s2, $0x0  }
0x6a: {  	s3 =	rddreg [dreg:$0x2];
	[bflag:$0x3] =	sbarrier.arrive $0xFFFF;
	s2 =	simm.s32 @!p0 $0x1C08  }
0x6b: {  	[timem:s3], [sflag:s2] =	dma.local @!p0 [hbm:s0], s1  }
0x6c: {  	s0 =	simm.s32 @!p0 $0x8  }
0x6d: {  	_ =	swait.ge @!p0 [sflag:s0], s1  }
0x6e: {  	s1 =	ssub.s32 @!p0 $0x0, s1;
	[sflag:s0] =	ssyncset.done @!p0 $0x0  }
0x6f: {  	[sflag:s0] =	ssyncadd.s32 @!p0 s1  }
0x70: {  	[bflag:$0x3] =	sbarrier.arrive $0xFFFF  }
0x71: {  	_ =	shalt  }

</sc_bundles>
